<compile_context>
chip_gen: v7x
topology: tpu7x:2x2x1
jax: 0.10.2.dev20260603
libtpu: 0.0.44.dev20260713+nightly
codegen_flags: <defaults>
</compile_context>

<pallas_src>
import functools

import jax
import jax.numpy as jnp
from jax import lax
from jax.experimental import pallas as pl
from jax.experimental.pallas import tpu as pltpu
from jax.experimental.pallas import tpu_sc as plsc

GROUP = 4
K = 1024
J = 16
LOGVAR_MIN, LOGVAR_MAX = -30.0, 20.0

SEG = 4608

NW = 32


def _split3(x):
    x1 = x.astype(jnp.bfloat16)
    r1 = x - x1.astype(jnp.float32)
    x2 = r1.astype(jnp.bfloat16)
    x3 = (r1 - x2.astype(jnp.float32)).astype(jnp.bfloat16)
    return x1, x2, x3


def _prep_body(s_ref, scat_ref):
    s = s_ref[...]
    saug = jnp.concatenate([s, s * s], axis=1)
    s1, s2, s3 = _split3(saug)
    scat_ref[...] = jnp.concatenate([s1, s1, s2, s1, s3, s2], axis=1)


def _prep_scat(s, interpret=False):
    return pl.pallas_call(
        _prep_body,
        out_shape=jax.ShapeDtypeStruct((K, 48), jnp.bfloat16),
        interpret=interpret,
    )(s)


def _score_body(zp_ref, scat_ref, idx_ref):
    zp = zp_ref[...]
    nb = zp.shape[1]
    mu = zp[:GROUP, :]
    lv = jnp.clip(zp[GROUP:, :], LOGVAR_MIN, LOGVAR_MAX)
    iv = jnp.exp(-lv)
    ft = jnp.concatenate([mu * iv, 0.5 * (1.0 - iv)], axis=0)
    f1, f2, f3 = _split3(ft)
    fcat = jnp.concatenate([f1, f2, f1, f3, f1, f2], axis=0)
    scores = jax.lax.dot_general(
        scat_ref[...], fcat, (((1,), (0,)), ((), ())),
        preferred_element_type=jnp.float32)
    m = jnp.max(scores, axis=0, keepdims=True)
    rev = (jnp.float32(K - 1) -
           lax.broadcasted_iota(jnp.int32, (K, nb), 0).astype(jnp.float32))
    r = jnp.max(jnp.where(scores >= m, rev, jnp.float32(-1.0)), axis=0)
    idx_ref[0, 0, :] = (jnp.float32(K - 1) - r).astype(jnp.int32)


def _tc_indices(zt2, s, interpret=False):
    n_bl = zt2.shape[1]
    n = n_bl * J
    segs = n_bl // SEG
    return pl.pallas_call(
        _score_body,
        grid=(J * segs,),
        in_specs=[
            pl.BlockSpec((2 * GROUP, SEG), lambda i: (i // segs, i % segs)),
            pl.BlockSpec((K, 48), lambda i: (0, 0)),
        ],
        out_specs=pl.BlockSpec((1, 1, SEG), lambda i: (i, 0, 0)),
        out_shape=jax.ShapeDtypeStruct((n // SEG, 1, SEG), jnp.int32),
        interpret=interpret,
    )(zt2, s)


def _sc_gather(table_flat, idx_flat):
    n = idx_flat.shape[0]
    bpw = n // NW
    nvec = bpw // J
    mesh = plsc.VectorSubcoreMesh(core_axis_name="c", subcore_axis_name="s")

    @functools.partial(
        pl.kernel,
        mesh=mesh,
        out_type=jax.ShapeDtypeStruct((NW, bpw * GROUP), jnp.float32),
        scratch_types=[
            pltpu.VMEM((K * GROUP,), jnp.float32),
            pltpu.VMEM((bpw,), jnp.int32),
            pltpu.VMEM((bpw * GROUP,), jnp.float32),
        ],
        compiler_params=pltpu.CompilerParams(needs_layout_passes=False),
    )
    def gather_k(table_hbm, idx_hbm, out_hbm, tbl_v, idx_v, out_v):
        wid = lax.axis_index("s") * 2 + lax.axis_index("c")
        pltpu.sync_copy(table_hbm, tbl_v)
        pltpu.sync_copy(idx_hbm.at[pl.ds(wid * bpw, bpw)], idx_v)
        lane = lax.broadcasted_iota(jnp.int32, (J,), 0)

        def body(il, _):
            lin = idx_v[pl.ds(il * J, J)] * GROUP
            base = il * (GROUP * J) + lane
            for g in range(GROUP):
                vals = plsc.load_gather(tbl_v, [lin + g])
                plsc.store_scatter(out_v, [base + g * J], vals)
            return _

        lax.fori_loop(0, nvec, body, None, unroll=4)
        pltpu.sync_copy(out_v, out_hbm.at[wid])

    return gather_k(table_flat, idx_flat)


def kernel(z, prior_samples):
    z = z.astype(jnp.float32)
    b, l, c2 = z.shape
    c = c2 // 2
    n = b * l * J

    zt2 = (z.reshape(b * l, 2, GROUP, J)
           .transpose(3, 1, 2, 0).reshape(2 * GROUP * J, b * l))

    scat = _prep_scat(prior_samples)
    idx_jmaj = _tc_indices(zt2, scat)
    idx2d = idx_jmaj.reshape(J, b * l).T
    indices = idx2d.reshape(b, l, c // GROUP)

    flat = _sc_gather(prior_samples.reshape(-1),
                      idx2d.reshape(n))
    zhat = flat.reshape(b, l, c)
    return zhat, indices

# --- scband reference (transcript-rebuilt; emitter-appended) ---
"""Pipeline reference for scband-gaussian-quant-regularizer-867583393938 (READ-ONLY COPY).

The authoritative reference and input builder live on the scoring server;
editing this copy changes nothing except your own understanding.
"""

import jax, jax.numpy as jnp
import numpy as np

GROUP = 4
N_SAMPLES = 1024
BETA = 1.0
LOGVAR_MIN, LOGVAR_MAX = -30.0, 20.0


def setup_inputs(seed: int = 0) -> dict:
    key = jax.random.key(seed)
    k1, k2 = jax.random.split(key)
    z = jax.random.normal(k1, (8, 576, 128), dtype=jnp.float32)
    # buffer: quasi-random standard-normal prior samples (Sobol+ppf in torch;
    # materialized here as standard normal draws of the same shape/distribution)
    prior_samples = jax.random.normal(k2, (N_SAMPLES, GROUP), dtype=jnp.float32)
    return {"z": z, "prior_samples": prior_samples}


def reference(z, prior_samples):
    z = z.astype(jnp.float32)
    b, l, c = z.shape
    c = c // 2
    mu, logvar = jnp.split(z, 2, axis=2)
    logvar = jnp.clip(logvar, LOGVAR_MIN, LOGVAR_MAX)
    std = jnp.exp(logvar * 0.5)
    mu = mu.reshape(b, l, GROUP, c // GROUP).transpose(0, 1, 3, 2).reshape(-1, GROUP)
    std = std.reshape(b, l, GROUP, c // GROUP).transpose(0, 1, 3, 2).reshape(-1, GROUP)
    log2pi = jnp.log(2.0 * jnp.pi)
    normal_log_prob = -0.5 * prior_samples ** 2 - 0.5 * log2pi  # [K, G]
    n = mu.shape[0]
    bs = n // 8
    zhat_chunks = []
    idx_chunks = []
    for i in range(0, n, bs):
        mu_q = mu[i:i + bs]
        std_q = std[i:i + bs]
        # Normal(mu, std).log_prob(prior_samples): [bs, K, G]
        qlp = (-0.5 * ((prior_samples[None] - mu_q[:, None, :]) / std_q[:, None, :]) ** 2
               - jnp.log(std_q)[:, None, :] - 0.5 * log2pi)
        log_ratios = qlp - normal_log_prob[None] * BETA
        perturbed = jnp.sum(log_ratios, axis=2)  # [bs, K]
        argmax_indices = jnp.argmax(perturbed, axis=1)  # [bs]
        zhat_chunks.append(jnp.take(prior_samples, argmax_indices, axis=0))
        idx_chunks.append(argmax_indices)
    zhat = jnp.concatenate(zhat_chunks, axis=0)
    indices = jnp.concatenate(idx_chunks, axis=0)
    zhat = zhat.reshape(b, l, c // GROUP, GROUP).transpose(0, 1, 3, 2).reshape(b, l, c).astype(jnp.float32)
    indices = indices.reshape(b, l, c // GROUP)
    return zhat, indices

if __name__ == "__main__":
    import jax
    _d = setup_inputs()
    print(jax.jit(kernel)(*tuple(_d.values())))

</pallas_src>

<mosaic_0001>
#map = affine_map<(d0, d1) -> (0)>
#map1 = affine_map<(d0, d1) -> (0, 0)>
module attributes {stable_mosaic.version = 14 : i64} {
  func.func @gather_k(%arg0: i32, %arg1: i32, %arg2: memref<4096xf32, #tpu.memory_space<hbm>>, %arg3: memref<73728xi32, #tpu.memory_space<hbm>>, %arg4: memref<32x9216xf32, #tpu.memory_space<hbm>>, %arg5: memref<4096xf32, #tpu.memory_space<vmem>>, %arg6: memref<2304xi32, #tpu.memory_space<vmem>>, %arg7: memref<9216xf32, #tpu.memory_space<vmem>>) attributes {dimension_semantics = [#tpu.dimension_semantics<core_parallel>, #tpu.dimension_semantics<subcore_parallel>], iteration_bounds = array<i64: 2, 16>, scalar_prefetch = 0 : i64, scratch_operands = 3 : i64, tpu.core_type = #tpu.core_type<sc_vector_subcore>, window_params = [{transform_indices = #map}, {transform_indices = #map}, {transform_indices = #map1}]} {
    %mul3A = arith.constant 2 : i32
    %mul3A_0 = arith.muli %arg1, %mul3A : i32
    %add3A = arith.addi %mul3A_0, %arg0 : i32
    "tpu.region"() ({
      %run_scoped3A = tpu.sem_alloc : memref<!tpu.dma_semaphore, #tpu.memory_space<semaphore_mem>>
      tpu.enqueue_dma source(%arg2 : memref<4096xf32, #tpu.memory_space<hbm>>) target(%arg5 : memref<4096xf32, #tpu.memory_space<vmem>>) target_semaphore(%run_scoped3A : memref<!tpu.dma_semaphore, #tpu.memory_space<semaphore_mem>>)
      tpu.wait_dma2 semaphore(%run_scoped3A : memref<!tpu.dma_semaphore, #tpu.memory_space<semaphore_mem>>) src(%arg2 : memref<4096xf32, #tpu.memory_space<hbm>>) dst(%arg5 : memref<4096xf32, #tpu.memory_space<vmem>>)
      tpu.yield
    }) : () -> ()
    %mul3A_1 = arith.constant 2304 : i32
    %mul3A_2 = arith.muli %add3A, %mul3A_1 : i32
    "tpu.region"() ({
      %run_scoped3A = tpu.sem_alloc : memref<!tpu.dma_semaphore, #tpu.memory_space<semaphore_mem>>
      %dma_start3A = tpu.memref_slice %arg3[%mul3A_2] : memref<73728xi32, #tpu.memory_space<hbm>> -> memref<2304xi32, #tpu.memory_space<hbm>>
      %dma_start3A_7 = tpu.memref_slice %arg3[%mul3A_2] : memref<73728xi32, #tpu.memory_space<hbm>> -> memref<2304xi32, #tpu.memory_space<hbm>>
      tpu.enqueue_dma source(%dma_start3A_7 : memref<2304xi32, #tpu.memory_space<hbm>>) target(%arg6 : memref<2304xi32, #tpu.memory_space<vmem>>) target_semaphore(%run_scoped3A : memref<!tpu.dma_semaphore, #tpu.memory_space<semaphore_mem>>)
      %dma_wait3A = tpu.memref_slice %arg3[%mul3A_2] : memref<73728xi32, #tpu.memory_space<hbm>> -> memref<2304xi32, #tpu.memory_space<hbm>>
      %dma_wait3A_8 = tpu.memref_slice %arg3[%mul3A_2] : memref<73728xi32, #tpu.memory_space<hbm>> -> memref<2304xi32, #tpu.memory_space<hbm>>
      tpu.wait_dma2 semaphore(%run_scoped3A : memref<!tpu.dma_semaphore, #tpu.memory_space<semaphore_mem>>) src(%dma_wait3A_8 : memref<2304xi32, #tpu.memory_space<hbm>>) dst(%arg6 : memref<2304xi32, #tpu.memory_space<vmem>>)
      tpu.yield
    }) : () -> ()
    %iota3A = tpu.iota {dimensions = array<i32: 0>} : vector<16xi32>
    %scan3A = arith.constant 0 : i32
    %scan3A_3 = arith.constant 144 : i32
    %scan3A_4 = arith.addi %scan3A, %scan3A_3 : i32
    %scan3A_5 = arith.constant 4 : i32
    scf.for %scan3A_7 = %scan3A to %scan3A_4 step %scan3A_5  : i32 {
      %mul3A_8 = arith.constant 16 : i32
      %mul3A_9 = arith.muli %scan3A_7, %mul3A_8 : i32
      %get3A = arith.index_cast %mul3A_9 : i32 to index
      %get3A_10 = tpu.vector_load %arg6[%get3A] {strides = array<i32>} : memref<2304xi32, #tpu.memory_space<vmem>>, vector<16xi32>,
      %mul3A_11 = arith.constant 4 : i32
      %mul3A_12 = vector.broadcast %mul3A_11 : i32 to vector<16xi32>
      %mul3A_13 = arith.muli %get3A_10, %mul3A_12 : vector<16xi32>
      %mul3A_14 = arith.constant 64 : i32
      %mul3A_15 = arith.muli %scan3A_7, %mul3A_14 : i32
      %add3A_16 = vector.broadcast %mul3A_15 : i32 to vector<16xi32>
      %add3A_17 = arith.addi %add3A_16, %iota3A : vector<16xi32>
      %add3A_18 = arith.constant 0 : i32
      %add3A_19 = vector.broadcast %add3A_18 : i32 to vector<16xi32>
      %add3A_20 = arith.addi %mul3A_13, %add3A_19 : vector<16xi32>
      %gather3A = tpu.vector_load_idx %arg5[%add3A_20] : memref<4096xf32, #tpu.memory_space<vmem>>[vector<16xi32>], vector<16xf32>,
      %add3A_21 = arith.constant 0 : i32
      %add3A_22 = vector.broadcast %add3A_21 : i32 to vector<16xi32>
      %add3A_23 = arith.addi %add3A_17, %add3A_22 : vector<16xi32>
      tpu.vector_store_idx %arg7[%add3A_23], %gather3A : memref<9216xf32, #tpu.memory_space<vmem>>[vector<16xi32>], vector<16xf32>,
      %add3A_24 = arith.constant 1 : i32
      %add3A_25 = vector.broadcast %add3A_24 : i32 to vector<16xi32>
      %add3A_26 = arith.addi %mul3A_13, %add3A_25 : vector<16xi32>
      %gather3A_27 = tpu.vector_load_idx %arg5[%add3A_26] : memref<4096xf32, #tpu.memory_space<vmem>>[vector<16xi32>], vector<16xf32>,
      %add3A_28 = arith.constant 16 : i32
      %add3A_29 = vector.broadcast %add3A_28 : i32 to vector<16xi32>
      %add3A_30 = arith.addi %add3A_17, %add3A_29 : vector<16xi32>
      tpu.vector_store_idx %arg7[%add3A_30], %gather3A_27 : memref<9216xf32, #tpu.memory_space<vmem>>[vector<16xi32>], vector<16xf32>,
      %add3A_31 = arith.constant 2 : i32
      %add3A_32 = vector.broadcast %add3A_31 : i32 to vector<16xi32>
      %add3A_33 = arith.addi %mul3A_13, %add3A_32 : vector<16xi32>
      %gather3A_34 = tpu.vector_load_idx %arg5[%add3A_33] : memref<4096xf32, #tpu.memory_space<vmem>>[vector<16xi32>], vector<16xf32>,
      %add3A_35 = arith.constant 32 : i32
      %add3A_36 = vector.broadcast %add3A_35 : i32 to vector<16xi32>
      %add3A_37 = arith.addi %add3A_17, %add3A_36 : vector<16xi32>
      tpu.vector_store_idx %arg7[%add3A_37], %gather3A_34 : memref<9216xf32, #tpu.memory_space<vmem>>[vector<16xi32>], vector<16xf32>,
      %add3A_38 = arith.constant 3 : i32
      %add3A_39 = vector.broadcast %add3A_38 : i32 to vector<16xi32>
      %add3A_40 = arith.addi %mul3A_13, %add3A_39 : vector<16xi32>
      %gather3A_41 = tpu.vector_load_idx %arg5[%add3A_40] : memref<4096xf32, #tpu.memory_space<vmem>>[vector<16xi32>], vector<16xf32>,
      %add3A_42 = arith.constant 48 : i32
      %add3A_43 = vector.broadcast %add3A_42 : i32 to vector<16xi32>
      %add3A_44 = arith.addi %add3A_17, %add3A_43 : vector<16xi32>
      tpu.vector_store_idx %arg7[%add3A_44], %gather3A_41 : memref<9216xf32, #tpu.memory_space<vmem>>[vector<16xi32>], vector<16xf32>,
      %scan3A_45 = arith.constant 1 : i32
      %scan3A_46 = arith.addi %scan3A_7, %scan3A_45 : i32
      %mul3A_47 = arith.constant 16 : i32
      %mul3A_48 = arith.muli %scan3A_46, %mul3A_47 : i32
      %get3A_49 = arith.index_cast %mul3A_48 : i32 to index
      %get3A_50 = tpu.vector_load %arg6[%get3A_49] {strides = array<i32>} : memref<2304xi32, #tpu.memory_space<vmem>>, vector<16xi32>,
      %mul3A_51 = arith.constant 4 : i32
      %mul3A_52 = vector.broadcast %mul3A_51 : i32 to vector<16xi32>
      %mul3A_53 = arith.muli %get3A_50, %mul3A_52 : vector<16xi32>
      %mul3A_54 = arith.constant 64 : i32
      %mul3A_55 = arith.muli %scan3A_46, %mul3A_54 : i32
      %add3A_56 = vector.broadcast %mul3A_55 : i32 to vector<16xi32>
      %add3A_57 = arith.addi %add3A_56, %iota3A : vector<16xi32>
      %add3A_58 = arith.constant 0 : i32
      %add3A_59 = vector.broadcast %add3A_58 : i32 to vector<16xi32>
      %add3A_60 = arith.addi %mul3A_53, %add3A_59 : vector<16xi32>
      %gather3A_61 = tpu.vector_load_idx %arg5[%add3A_60] : memref<4096xf32, #tpu.memory_space<vmem>>[vector<16xi32>], vector<16xf32>,
      %add3A_62 = arith.constant 0 : i32
      %add3A_63 = vector.broadcast %add3A_62 : i32 to vector<16xi32>
      %add3A_64 = arith.addi %add3A_57, %add3A_63 : vector<16xi32>
      tpu.vector_store_idx %arg7[%add3A_64], %gather3A_61 : memref<9216xf32, #tpu.memory_space<vmem>>[vector<16xi32>], vector<16xf32>,
      %add3A_65 = arith.constant 1 : i32
      %add3A_66 = vector.broadcast %add3A_65 : i32 to vector<16xi32>
      %add3A_67 = arith.addi %mul3A_53, %add3A_66 : vector<16xi32>
      %gather3A_68 = tpu.vector_load_idx %arg5[%add3A_67] : memref<4096xf32, #tpu.memory_space<vmem>>[vector<16xi32>], vector<16xf32>,
      %add3A_69 = arith.constant 16 : i32
      %add3A_70 = vector.broadcast %add3A_69 : i32 to vector<16xi32>
      %add3A_71 = arith.addi %add3A_57, %add3A_70 : vector<16xi32>
      tpu.vector_store_idx %arg7[%add3A_71], %gather3A_68 : memref<9216xf32, #tpu.memory_space<vmem>>[vector<16xi32>], vector<16xf32>,
      %add3A_72 = arith.constant 2 : i32
      %add3A_73 = vector.broadcast %add3A_72 : i32 to vector<16xi32>
      %add3A_74 = arith.addi %mul3A_53, %add3A_73 : vector<16xi32>
      %gather3A_75 = tpu.vector_load_idx %arg5[%add3A_74] : memref<4096xf32, #tpu.memory_space<vmem>>[vector<16xi32>], vector<16xf32>,
      %add3A_76 = arith.constant 32 : i32
      %add3A_77 = vector.broadcast %add3A_76 : i32 to vector<16xi32>
      %add3A_78 = arith.addi %add3A_57, %add3A_77 : vector<16xi32>
      tpu.vector_store_idx %arg7[%add3A_78], %gather3A_75 : memref<9216xf32, #tpu.memory_space<vmem>>[vector<16xi32>], vector<16xf32>,
      %add3A_79 = arith.constant 3 : i32
      %add3A_80 = vector.broadcast %add3A_79 : i32 to vector<16xi32>
      %add3A_81 = arith.addi %mul3A_53, %add3A_80 : vector<16xi32>
      %gather3A_82 = tpu.vector_load_idx %arg5[%add3A_81] : memref<4096xf32, #tpu.memory_space<vmem>>[vector<16xi32>], vector<16xf32>,
      %add3A_83 = arith.constant 48 : i32
      %add3A_84 = vector.broadcast %add3A_83 : i32 to vector<16xi32>
      %add3A_85 = arith.addi %add3A_57, %add3A_84 : vector<16xi32>
      tpu.vector_store_idx %arg7[%add3A_85], %gather3A_82 : memref<9216xf32, #tpu.memory_space<vmem>>[vector<16xi32>], vector<16xf32>,
      %scan3A_86 = arith.constant 2 : i32
      %scan3A_87 = arith.addi %scan3A_7, %scan3A_86 : i32
      %mul3A_88 = arith.constant 16 : i32
      %mul3A_89 = arith.muli %scan3A_87, %mul3A_88 : i32
      %get3A_90 = arith.index_cast %mul3A_89 : i32 to index
      %get3A_91 = tpu.vector_load %arg6[%get3A_90] {strides = array<i32>} : memref<2304xi32, #tpu.memory_space<vmem>>, vector<16xi32>,
      %mul3A_92 = arith.constant 4 : i32
      %mul3A_93 = vector.broadcast %mul3A_92 : i32 to vector<16xi32>
      %mul3A_94 = arith.muli %get3A_91, %mul3A_93 : vector<16xi32>
      %mul3A_95 = arith.constant 64 : i32
      %mul3A_96 = arith.muli %scan3A_87, %mul3A_95 : i32
      %add3A_97 = vector.broadcast %mul3A_96 : i32 to vector<16xi32>
      %add3A_98 = arith.addi %add3A_97, %iota3A : vector<16xi32>
      %add3A_99 = arith.constant 0 : i32
      %add3A_100 = vector.broadcast %add3A_99 : i32 to vector<16xi32>
      %add3A_101 = arith.addi %mul3A_94, %add3A_100 : vector<16xi32>
      %gather3A_102 = tpu.vector_load_idx %arg5[%add3A_101] : memref<4096xf32, #tpu.memory_space<vmem>>[vector<16xi32>], vector<16xf32>,
      %add3A_103 = arith.constant 0 : i32
      %add3A_104 = vector.broadcast %add3A_103 : i32 to vector<16xi32>
      %add3A_105 = arith.addi %add3A_98, %add3A_104 : vector<16xi32>
      tpu.vector_store_idx %arg7[%add3A_105], %gather3A_102 : memref<9216xf32, #tpu.memory_space<vmem>>[vector<16xi32>], vector<16xf32>,
      %add3A_106 = arith.constant 1 : i32
      %add3A_107 = vector.broadcast %add3A_106 : i32 to vector<16xi32>
      %add3A_108 = arith.addi %mul3A_94, %add3A_107 : vector<16xi32>
      %gather3A_109 = tpu.vector_load_idx %arg5[%add3A_108] : memref<4096xf32, #tpu.memory_space<vmem>>[vector<16xi32>], vector<16xf32>,
      %add3A_110 = arith.constant 16 : i32
      %add3A_111 = vector.broadcast %add3A_110 : i32 to vector<16xi32>
      %add3A_112 = arith.addi %add3A_98, %add3A_111 : vector<16xi32>
      tpu.vector_store_idx %arg7[%add3A_112], %gather3A_109 : memref<9216xf32, #tpu.memory_space<vmem>>[vector<16xi32>], vector<16xf32>,
      %add3A_113 = arith.constant 2 : i32
      %add3A_114 = vector.broadcast %add3A_113 : i32 to vector<16xi32>
      %add3A_115 = arith.addi %mul3A_94, %add3A_114 : vector<16xi32>
      %gather3A_116 = tpu.vector_load_idx %arg5[%add3A_115] : memref<4096xf32, #tpu.memory_space<vmem>>[vector<16xi32>], vector<16xf32>,
      %add3A_117 = arith.constant 32 : i32
      %add3A_118 = vector.broadcast %add3A_117 : i32 to vector<16xi32>
      %add3A_119 = arith.addi %add3A_98, %add3A_118 : vector<16xi32>
      tpu.vector_store_idx %arg7[%add3A_119], %gather3A_116 : memref<9216xf32, #tpu.memory_space<vmem>>[vector<16xi32>], vector<16xf32>,
      %add3A_120 = arith.constant 3 : i32
      %add3A_121 = vector.broadcast %add3A_120 : i32 to vector<16xi32>
      %add3A_122 = arith.addi %mul3A_94, %add3A_121 : vector<16xi32>
      %gather3A_123 = tpu.vector_load_idx %arg5[%add3A_122] : memref<4096xf32, #tpu.memory_space<vmem>>[vector<16xi32>], vector<16xf32>,
      %add3A_124 = arith.constant 48 : i32
      %add3A_125 = vector.broadcast %add3A_124 : i32 to vector<16xi32>
      %add3A_126 = arith.addi %add3A_98, %add3A_125 : vector<16xi32>
      tpu.vector_store_idx %arg7[%add3A_126], %gather3A_123 : memref<9216xf32, #tpu.memory_space<vmem>>[vector<16xi32>], vector<16xf32>,
      %scan3A_127 = arith.constant 3 : i32
      %scan3A_128 = arith.addi %scan3A_7, %scan3A_127 : i32
      %mul3A_129 = arith.constant 16 : i32
      %mul3A_130 = arith.muli %scan3A_128, %mul3A_129 : i32
      %get3A_131 = arith.index_cast %mul3A_130 : i32 to index
      %get3A_132 = tpu.vector_load %arg6[%get3A_131] {strides = array<i32>} : memref<2304xi32, #tpu.memory_space<vmem>>, vector<16xi32>,
      %mul3A_133 = arith.constant 4 : i32
      %mul3A_134 = vector.broadcast %mul3A_133 : i32 to vector<16xi32>
      %mul3A_135 = arith.muli %get3A_132, %mul3A_134 : vector<16xi32>
      %mul3A_136 = arith.constant 64 : i32
      %mul3A_137 = arith.muli %scan3A_128, %mul3A_136 : i32
      %add3A_138 = vector.broadcast %mul3A_137 : i32 to vector<16xi32>
      %add3A_139 = arith.addi %add3A_138, %iota3A : vector<16xi32>
      %add3A_140 = arith.constant 0 : i32
      %add3A_141 = vector.broadcast %add3A_140 : i32 to vector<16xi32>
      %add3A_142 = arith.addi %mul3A_135, %add3A_141 : vector<16xi32>
      %gather3A_143 = tpu.vector_load_idx %arg5[%add3A_142] : memref<4096xf32, #tpu.memory_space<vmem>>[vector<16xi32>], vector<16xf32>,
      %add3A_144 = arith.constant 0 : i32
      %add3A_145 = vector.broadcast %add3A_144 : i32 to vector<16xi32>
      %add3A_146 = arith.addi %add3A_139, %add3A_145 : vector<16xi32>
      tpu.vector_store_idx %arg7[%add3A_146], %gather3A_143 : memref<9216xf32, #tpu.memory_space<vmem>>[vector<16xi32>], vector<16xf32>,
      %add3A_147 = arith.constant 1 : i32
      %add3A_148 = vector.broadcast %add3A_147 : i32 to vector<16xi32>
      %add3A_149 = arith.addi %mul3A_135, %add3A_148 : vector<16xi32>
      %gather3A_150 = tpu.vector_load_idx %arg5[%add3A_149] : memref<4096xf32, #tpu.memory_space<vmem>>[vector<16xi32>], vector<16xf32>,
      %add3A_151 = arith.constant 16 : i32
      %add3A_152 = vector.broadcast %add3A_151 : i32 to vector<16xi32>
      %add3A_153 = arith.addi %add3A_139, %add3A_152 : vector<16xi32>
      tpu.vector_store_idx %arg7[%add3A_153], %gather3A_150 : memref<9216xf32, #tpu.memory_space<vmem>>[vector<16xi32>], vector<16xf32>,
      %add3A_154 = arith.constant 2 : i32
      %add3A_155 = vector.broadcast %add3A_154 : i32 to vector<16xi32>
      %add3A_156 = arith.addi %mul3A_135, %add3A_155 : vector<16xi32>
      %gather3A_157 = tpu.vector_load_idx %arg5[%add3A_156] : memref<4096xf32, #tpu.memory_space<vmem>>[vector<16xi32>], vector<16xf32>,
      %add3A_158 = arith.constant 32 : i32
      %add3A_159 = vector.broadcast %add3A_158 : i32 to vector<16xi32>
      %add3A_160 = arith.addi %add3A_139, %add3A_159 : vector<16xi32>
      tpu.vector_store_idx %arg7[%add3A_160], %gather3A_157 : memref<9216xf32, #tpu.memory_space<vmem>>[vector<16xi32>], vector<16xf32>,
      %add3A_161 = arith.constant 3 : i32
      %add3A_162 = vector.broadcast %add3A_161 : i32 to vector<16xi32>
      %add3A_163 = arith.addi %mul3A_135, %add3A_162 : vector<16xi32>
      %gather3A_164 = tpu.vector_load_idx %arg5[%add3A_163] : memref<4096xf32, #tpu.memory_space<vmem>>[vector<16xi32>], vector<16xf32>,
      %add3A_165 = arith.constant 48 : i32
      %add3A_166 = vector.broadcast %add3A_165 : i32 to vector<16xi32>
      %add3A_167 = arith.addi %add3A_139, %add3A_166 : vector<16xi32>
      tpu.vector_store_idx %arg7[%add3A_167], %gather3A_164 : memref<9216xf32, #tpu.memory_space<vmem>>[vector<16xi32>], vector<16xf32>,
    }
    %scan3A_6 = arith.constant 144 : i32
    "tpu.region"() ({
      %run_scoped3A = tpu.sem_alloc : memref<!tpu.dma_semaphore, #tpu.memory_space<semaphore_mem>>
      %dma_start3A = arith.constant 0 : i32
      %dma_start3A_7 = tpu.memref_slice %arg4[%add3A, %dma_start3A] : memref<32x9216xf32, #tpu.memory_space<hbm>> -> memref<1x9216xf32, #tpu.memory_space<hbm>>
      %dma_start3A_8 = tpu.memref_squeeze %dma_start3A_7 : memref<1x9216xf32, #tpu.memory_space<hbm>> -> memref<9216xf32, #tpu.memory_space<hbm>>
      %dma_start3A_9 = arith.constant 0 : i32
      %dma_start3A_10 = tpu.memref_slice %arg4[%add3A, %dma_start3A_9] : memref<32x9216xf32, #tpu.memory_space<hbm>> -> memref<1x9216xf32, #tpu.memory_space<hbm>>
      %dma_start3A_11 = tpu.memref_squeeze %dma_start3A_10 : memref<1x9216xf32, #tpu.memory_space<hbm>> -> memref<9216xf32, #tpu.memory_space<hbm>>
      tpu.enqueue_dma source(%arg7 : memref<9216xf32, #tpu.memory_space<vmem>>) target(%dma_start3A_11 : memref<9216xf32, #tpu.memory_space<hbm>>) target_semaphore(%run_scoped3A : memref<!tpu.dma_semaphore, #tpu.memory_space<semaphore_mem>>)
      %dma_wait3A = arith.constant 0 : i32
      %dma_wait3A_12 = tpu.memref_slice %arg4[%add3A, %dma_wait3A] : memref<32x9216xf32, #tpu.memory_space<hbm>> -> memref<1x9216xf32, #tpu.memory_space<hbm>>
      %dma_wait3A_13 = tpu.memref_squeeze %dma_wait3A_12 : memref<1x9216xf32, #tpu.memory_space<hbm>> -> memref<9216xf32, #tpu.memory_space<hbm>>
      %dma_wait3A_14 = arith.constant 0 : i32
      %dma_wait3A_15 = tpu.memref_slice %arg4[%add3A, %dma_wait3A_14] : memref<32x9216xf32, #tpu.memory_space<hbm>> -> memref<1x9216xf32, #tpu.memory_space<hbm>>
      %dma_wait3A_16 = tpu.memref_squeeze %dma_wait3A_15 : memref<1x9216xf32, #tpu.memory_space<hbm>> -> memref<9216xf32, #tpu.memory_space<hbm>>
      tpu.wait_dma2 semaphore(%run_scoped3A : memref<!tpu.dma_semaphore, #tpu.memory_space<semaphore_mem>>) src(%arg7 : memref<9216xf32, #tpu.memory_space<vmem>>) dst(%dma_wait3A_16 : memref<9216xf32, #tpu.memory_space<hbm>>)
      tpu.yield
    }) : () -> ()
    return
  }
}

module attributes {stable_mosaic.version = 14 : i64} {
  func.func @_prep_body(%arg0: memref<1024x4xf32, #tpu.memory_space<vmem>>, %arg1: memref<1024x48xbf16, #tpu.memory_space<vmem>>) attributes {dimension_semantics = [], scalar_prefetch = 0 : i64, scratch_operands = 0 : i64, tpu.core_type = #tpu.core_type<tc>} {
    %get3A = arith.constant 0 : index
    %get3A_0 = arith.constant 0 : index
    %get3A_1 = vector.load %arg0[%get3A, %get3A_0] : memref<1024x4xf32, #tpu.memory_space<vmem>>, vector<1024x4xf32>
    %mul3A = arith.mulf %get3A_1, %get3A_1 : vector<1024x4xf32>
    %concatenate3A = tpu.concatenate %get3A_1, %mul3A in 1 : vector<1024x4xf32>, vector<1024x4xf32> -> vector<1024x8xf32>
    %convert_element_type3A = arith.truncf %concatenate3A : vector<1024x8xf32> to vector<1024x8xbf16>
    %convert_element_type3A_2 = arith.extf %convert_element_type3A : vector<1024x8xbf16> to vector<1024x8xf32>
    %sub3A = arith.subf %concatenate3A, %convert_element_type3A_2 : vector<1024x8xf32>
    %convert_element_type3A_3 = arith.truncf %sub3A : vector<1024x8xf32> to vector<1024x8xbf16>
    %convert_element_type3A_4 = arith.extf %convert_element_type3A_3 : vector<1024x8xbf16> to vector<1024x8xf32>
    %sub3A_5 = arith.subf %sub3A, %convert_element_type3A_4 : vector<1024x8xf32>
    %convert_element_type3A_6 = arith.truncf %sub3A_5 : vector<1024x8xf32> to vector<1024x8xbf16>
    %concatenate3A_7 = tpu.concatenate %convert_element_type3A, %convert_element_type3A, %convert_element_type3A_3, %convert_element_type3A, %convert_element_type3A_6, %convert_element_type3A_3 in 1 : vector<1024x8xbf16>, vector<1024x8xbf16>, vector<1024x8xbf16>, vector<1024x8xbf16>, vector<1024x8xbf16>, vector<1024x8xbf16> -> vector<1024x48xbf16>
    %swap3A = arith.constant 0 : index
    %swap3A_8 = arith.constant 0 : index
    %swap3A_9 = vector.load %arg1[%swap3A, %swap3A_8] : memref<1024x48xbf16, #tpu.memory_space<vmem>>, vector<1024x48xbf16>
    tpu.vector_store %arg1[%swap3A, %swap3A_8], %concatenate3A_7 {strides = array<i32>} : memref<1024x48xbf16, #tpu.memory_space<vmem>>, vector<1024x48xbf16>,
    return
  }
}

module attributes {stable_mosaic.version = 14 : i64} {
  func.func @_score_body(%arg0: i32, %arg1: memref<8x4608xf32, #tpu.memory_space<vmem>>, %arg2: memref<1024x48xbf16, #tpu.memory_space<vmem>>, %arg3: memref<1x1x4608xi32, #tpu.memory_space<vmem>>) attributes {dimension_semantics = [#tpu.dimension_semantics<arbitrary>], iteration_bounds = array<i64: 16>, scalar_prefetch = 0 : i64, scratch_operands = 0 : i64, tpu.core_type = #tpu.core_type<tc>, window_params = [{transform_indices = @transform_0, window_bounds = array<i64: 8, 4608>}, {pipeline_mode = #tpu.pipeline_mode<synchronous>, transform_indices = @transform_1, window_bounds = array<i64: 1024, 48>}, {transform_indices = @transform_2, window_bounds = array<i64: 1, 1, 4608>}]} {
    %get3A = arith.constant 0 : index
    %get3A_0 = arith.constant 0 : index
    %get3A_1 = vector.load %arg1[%get3A, %get3A_0] : memref<8x4608xf32, #tpu.memory_space<vmem>>, vector<8x4608xf32>
    %slice3A = vector.extract_strided_slice %get3A_1 {offsets = [0, 0], sizes = [4, 4608], strides = [1, 1]} : vector<8x4608xf32> to vector<4x4608xf32>
    %slice3A_2 = vector.extract_strided_slice %get3A_1 {offsets = [4, 0], sizes = [4, 4608], strides = [1, 1]} : vector<8x4608xf32> to vector<4x4608xf32>
    %jit3A = arith.constant -3.000000e+01 : f32
    %jit3A_3 = arith.constant 2.000000e+01 : f32
    %max3A = vector.broadcast %jit3A : f32 to vector<4x4608xf32>
    %max3A_4 = arith.maximumf %max3A, %slice3A_2 : vector<4x4608xf32>
    %min3A = vector.broadcast %jit3A_3 : f32 to vector<4x4608xf32>
    %min3A_5 = arith.minimumf %min3A, %max3A_4 : vector<4x4608xf32>
    %neg3A = arith.constant 0.000000e+00 : f32
    %neg3A_6 = vector.broadcast %neg3A : f32 to vector<4x4608xf32>
    %neg3A_7 = arith.subf %neg3A_6, %min3A_5 : vector<4x4608xf32>
    %exp3A = math.exp %neg3A_7 : vector<4x4608xf32>
    %mul3A = arith.mulf %slice3A, %exp3A : vector<4x4608xf32>
    %sub3A = arith.constant 1.000000e+00 : f32
    %sub3A_8 = vector.broadcast %sub3A : f32 to vector<4x4608xf32>
    %sub3A_9 = arith.subf %sub3A_8, %exp3A : vector<4x4608xf32>
    %mul3A_10 = arith.constant 5.000000e-01 : f32
    %mul3A_11 = vector.broadcast %mul3A_10 : f32 to vector<4x4608xf32>
    %mul3A_12 = arith.mulf %mul3A_11, %sub3A_9 : vector<4x4608xf32>
    %concatenate3A = tpu.concatenate %mul3A, %mul3A_12 in 0 : vector<4x4608xf32>, vector<4x4608xf32> -> vector<8x4608xf32>
    %convert_element_type3A = arith.truncf %concatenate3A : vector<8x4608xf32> to vector<8x4608xbf16>
    %convert_element_type3A_13 = arith.extf %convert_element_type3A : vector<8x4608xbf16> to vector<8x4608xf32>
    %sub3A_14 = arith.subf %concatenate3A, %convert_element_type3A_13 : vector<8x4608xf32>
    %convert_element_type3A_15 = arith.truncf %sub3A_14 : vector<8x4608xf32> to vector<8x4608xbf16>
    %convert_element_type3A_16 = arith.extf %convert_element_type3A_15 : vector<8x4608xbf16> to vector<8x4608xf32>
    %sub3A_17 = arith.subf %sub3A_14, %convert_element_type3A_16 : vector<8x4608xf32>
    %convert_element_type3A_18 = arith.truncf %sub3A_17 : vector<8x4608xf32> to vector<8x4608xbf16>
    %concatenate3A_19 = tpu.concatenate %convert_element_type3A, %convert_element_type3A_15, %convert_element_type3A, %convert_element_type3A_18, %convert_element_type3A, %convert_element_type3A_15 in 0 : vector<8x4608xbf16>, vector<8x4608xbf16>, vector<8x4608xbf16>, vector<8x4608xbf16>, vector<8x4608xbf16>, vector<8x4608xbf16> -> vector<48x4608xbf16>
    %get3A_20 = arith.constant 0 : index
    %get3A_21 = arith.constant 0 : index
    %get3A_22 = vector.load %arg2[%get3A_20, %get3A_21] : memref<1024x48xbf16, #tpu.memory_space<vmem>>, vector<1024x48xbf16>
    %dot_general3A = arith.constant dense<0.000000e+00> : vector<1024x4608xf32>
    %dot_general3A_23 = tpu.matmul %get3A_22, %concatenate3A_19, %dot_general3A {dimension_numbers = #tpu.dot_dimension_numbers<[1], [0], [0], [1], [0, 0, 1, 1], [], []>, transpose_lhs_hint = false} : vector<1024x48xbf16>, vector<48x4608xbf16>, vector<1024x4608xf32> -> vector<1024x4608xf32>
    %reduce_max3A = arith.constant dense<0xFF800000> : vector<4608xf32>
    %reduce_max3A_24 = vector.multi_reduction <maximumf>, %dot_general3A_23, %reduce_max3A [0] : vector<1024x4608xf32> to vector<4608xf32>
    %broadcast_in_dim3A = vector.shape_cast %reduce_max3A_24 : vector<4608xf32> to vector<1x4608xf32>
    %iota3A = tpu.iota {dimensions = array<i32: 0>} : vector<1024x4608xi32>
    %convert_element_type3A_25 = arith.sitofp %iota3A : vector<1024x4608xi32> to vector<1024x4608xf32>
    %sub3A_26 = arith.constant 1.023000e+03 : f32
    %sub3A_27 = vector.broadcast %sub3A_26 : f32 to vector<1024x4608xf32>
    %sub3A_28 = arith.subf %sub3A_27, %convert_element_type3A_25 : vector<1024x4608xf32>
    %ge3A = vector.broadcast %broadcast_in_dim3A : vector<1x4608xf32> to vector<1024x4608xf32>
    %ge3A_29 = arith.cmpf oge, %dot_general3A_23, %ge3A : vector<1024x4608xf32>
    %jit3A_30 = arith.constant -1.000000e+00 : f32
    %broadcast_in_dim3A_31 = vector.broadcast %jit3A_30 : f32 to vector<1024x4608xf32>
    %select_n3A = arith.select %ge3A_29, %sub3A_28, %broadcast_in_dim3A_31 : vector<1024x4608xi1>, vector<1024x4608xf32>
    %reduce_max3A_32 = arith.constant dense<0xFF800000> : vector<4608xf32>
    %reduce_max3A_33 = vector.multi_reduction <maximumf>, %select_n3A, %reduce_max3A_32 [0] : vector<1024x4608xf32> to vector<4608xf32>
    %sub3A_34 = arith.constant 1.023000e+03 : f32
    %sub3A_35 = vector.broadcast %sub3A_34 : f32 to vector<4608xf32>
    %sub3A_36 = arith.subf %sub3A_35, %reduce_max3A_33 : vector<4608xf32>
    %convert_element_type3A_37 = arith.fptosi %sub3A_36 : vector<4608xf32> to vector<4608xi32>
    %swap3A = arith.constant 0 : index
    %swap3A_38 = arith.constant 0 : index
    %swap3A_39 = arith.constant 0 : index
    %swap3A_40 = vector.load %arg3[%swap3A, %swap3A_38, %swap3A_39] : memref<1x1x4608xi32, #tpu.memory_space<vmem>>, vector<1x1x4608xi32>
    %swap3A_41 = vector.shape_cast %swap3A_40 : vector<1x1x4608xi32> to vector<4608xi32>
    %swap3A_42 = vector.shape_cast %convert_element_type3A_37 : vector<4608xi32> to vector<1x1x4608xi32>
    tpu.vector_store %arg3[%swap3A, %swap3A_38, %swap3A_39], %swap3A_42 {strides = array<i32>} : memref<1x1x4608xi32, #tpu.memory_space<vmem>>, vector<1x1x4608xi32>,
    return
  }
  func.func @transform_0(%arg0: i32) -> (i32, i32) {
    %jit3A = arith.constant 1 : i32
    %div3A = arith.divsi %arg0, %jit3A : i32
    %sign3A = arith.constant 0 : i32
    %sign3A_0 = arith.cmpi sgt, %arg0, %sign3A : i32
    %sign3A_1 = arith.extui %sign3A_0 : i1 to i32
    %sign3A_2 = arith.constant 0 : i32
    %sign3A_3 = arith.cmpi slt, %arg0, %sign3A_2 : i32
    %sign3A_4 = arith.extui %sign3A_3 : i1 to i32
    %sign3A_5 = arith.subi %sign3A_1, %sign3A_4 : i32
    %sign3A_6 = arith.constant 0 : i32
    %sign3A_7 = arith.cmpi sgt, %jit3A, %sign3A_6 : i32
    %sign3A_8 = arith.extui %sign3A_7 : i1 to i32
    %sign3A_9 = arith.constant 0 : i32
    %sign3A_10 = arith.cmpi slt, %jit3A, %sign3A_9 : i32
    %sign3A_11 = arith.extui %sign3A_10 : i1 to i32
    %sign3A_12 = arith.subi %sign3A_8, %sign3A_11 : i32
    %ne3A = arith.cmpi ne, %sign3A_5, %sign3A_12 : i32
    %rem3A = arith.remsi %arg0, %jit3A : i32
    %ne3A_13 = arith.constant 0 : i32
    %ne3A_14 = arith.cmpi ne, %rem3A, %ne3A_13 : i32
    %and3A = arith.andi %ne3A, %ne3A_14 : i1
    %sub3A = arith.constant 1 : i32
    %sub3A_15 = arith.subi %div3A, %sub3A : i32
    %select_n3A = arith.select %and3A, %sub3A_15, %div3A : i32
    %jit3A_16 = arith.constant 1 : i32
    %eq3A = arith.constant 0 : i32
    %eq3A_17 = arith.cmpi eq, %jit3A_16, %eq3A : i32
    %jit3A_18 = arith.constant 1 : i32
    %select_n3A_19 = arith.select %eq3A_17, %jit3A_18, %jit3A_16 : i32
    %rem3A_20 = arith.remsi %arg0, %select_n3A_19 : i32
    %ne3A_21 = arith.constant 0 : i32
    %ne3A_22 = arith.cmpi ne, %rem3A_20, %ne3A_21 : i32
    %lt3A = arith.constant 0 : i32
    %lt3A_23 = arith.cmpi slt, %rem3A_20, %lt3A : i32
    %lt3A_24 = arith.constant 0 : i32
    %lt3A_25 = arith.cmpi slt, %select_n3A_19, %lt3A_24 : i32
    %ne3A_26 = arith.xori %lt3A_23, %lt3A_25 : i1
    %and3A_27 = arith.andi %ne3A_26, %ne3A_22 : i1
    %add3A = arith.addi %rem3A_20, %select_n3A_19 : i32
    %select_n3A_28 = arith.select %and3A_27, %add3A, %rem3A_20 : i32
    %c0_i32 = arith.constant 0 : i32
    return %select_n3A, %select_n3A_28 : i32, i32
  }
  func.func @transform_1(%arg0: i32) -> (i32, i32) {
    %c0_i32 = arith.constant 0 : i32
    %c0_i32_0 = arith.constant 0 : i32
    %c0_i32_1 = arith.constant 0 : i32
    return %c0_i32, %c0_i32_0 : i32, i32
  }
  func.func @transform_2(%arg0: i32) -> (i32, i32, i32) {
    %c0_i32 = arith.constant 0 : i32
    %c0_i32_0 = arith.constant 0 : i32
    %c0_i32_1 = arith.constant 0 : i32
    return %arg0, %c0_i32, %c0_i32_0 : i32, i32, i32
  }
}

</mosaic_0001>

<sc_bundles>
// kernel: kernel.5.cloned.1.call-start
scs
__scs_entry_jumppad:
0x0: {  	(pc) =	sbr.rel $0x88, $3  }
0x1: {  	(tag) =	ssettag $0x0;
	lr =	simm.s32 $0x1  }
0x2: {  	[smem:$0x3F9F] =	sst lr;
	_ =	strace $0xD0000000  }
0x3: {  	_ = 	snop  }
0x4: {  	_ = 	snop  }
0x5: {  	_ = 	snop  }
0x6: {  	_ = 	snop  }
0x7: {  	_ = 	snop  }
__scs_overlays_trampoline_lowered:
0x8: {  	[smem:$0x3FAE] =	sst s0  }
0x9: {  	[smem:$0x3FAF] =	sst s1  }
0xa: {  	[smem:$0x3FB0] =	sst s2  }
0xb: {  	[smem:$0x3FB1] =	sst s3  }
0xc: {  	[smem:$0x3FB2] =	sst s4  }
0xd: {  	[smem:$0x3FB3] =	sst s5  }
0xe: {  	[smem:$0x3FB4] =	sst s6  }
0xf: {  	[smem:$0x3FB5] =	sst s7  }
0x10: {  	[smem:$0x3FB6] =	sst s8  }
0x11: {  	[smem:$0x3FB7] =	sst s9;
	s0 =	simm.s32 @!p0 $0x0  }
0x12: {  	s1 =	sld [smem:$0x3F9D];
	s0 =	simm.s32 @p0 $0x1  }
0x13: {  	[smem:$0x3FB8] =	sst s0;
	s0 =	simm.s32 @!p1 $0x0  }
0x14: {  	s2 =	sld [smem:$0x3F9C];
	s0 =	simm.s32 @p1 $0x1  }
0x15: {  	[smem:$0x3FB9] =	sst s0;
	s0 =	simm.s32 @!p2 $0x0  }
0x16: {  	s3 =	sld [smem:$0x3FDB];
	s0 =	simm.s32 @p2 $0x1  }
0x17: {  	s4 =	simm.s32 $0x1BF5;
	[smem:$0x3FBB] =	sst s0  }
0x18: {  	s0 =	sld [smem:$0x3F9E];
	_ =	swait.ge [sflag:s4], $0x0  }
0x19: {  	s7 =	sld [smem:$0x3F9F]  }
0x1a: {  	s8 =	sadd.s32 $0xFFFFE003, lr  }
0x1b: {  	s9 =	sadd.s32 $0xFFFFFEF7, lr;
	s5 =	simm.s32 $0xFFFFFFFF;
	p2 =	slt.u32 s8, $0xFFFFF086  }
0x1c: {  	p1 =	slt.u32 s9, $0xF7A;
	s5 =	simm.s32 @!p2 $0x0  }
0x1d: {  	s5 =	simm.s32 @p1 $0x1;
	p0 =	seq.s32 s7, s2  }
0x1e: {  	s7 =	smul.u32 @!p0 $0xF7A, s2;
	p2 =	seq.s32 @!p0 s5, $0x0  }
0x1f: {  	s9 =	smul.u32 $0xF7A, s1;
	s8 =	simm.s32 @!p0 $0x1BF5;
	p2 =	por !p2, p0  }
0x20: {  	[sflag:s8] =	ssyncset.s32 @!p0 $0xFFFFF086;
	s6 =	sadd.s32 @!p0 s3, s7;
	s7 =	simm.s32 @!p0 $0x108  }
0x21: {  	s3 =	sadd.s32 s3, s9;
	s6 =	sadd.s32 @!p0 $0x88, s6;
	s7 =	simm.s32 @p2 $0x1082  }
0x22: {  	[simem:s7], [sflag:s8] =	dma.local @!p0 [hbm:s6], $0xF7A  }
0x23: {  	s9 =	sor.u32 $0xD0000000, s2;
	s6 =	simm.s32 $0x108;
	_ =	swait.ge @!p0 [sflag:s8], $0x0  }
0x24: {  	s3 =	sadd.s32 $0x88, s3;
	s6 =	simm.s32 @!p1 $0x1082;
	[sflag:s4] =	ssyncset.s32 $0xFFFFF086  }
0x25: {  	[simem:s6], [sflag:s4] =	dma.local [hbm:s3], $0xF7A  }
0x26: {  	[smem:$0x3F9F] =	sst s1;
	(tag) =	ssettag s2;
	_ =	strace s9  }
0x27: {  	s1 =	sld [smem:$0x3FAF]  }
0x28: {  	s2 =	sld [smem:$0x3FB0]  }
0x29: {  	s4 =	sld [smem:$0x3FB2]  }
0x2a: {  	p0 =	seq.s32 s5, $0x0;
	s5 =	sld [smem:$0x3FB3]  }
0x2b: {  	s6 =	sld [smem:$0x3FB4]  }
0x2c: {  	s7 =	sld [smem:$0x3FB5]  }
0x2d: {  	s3 =	simm.s32 $0x108;
	s8 =	sld [smem:$0x3FB6]  }
0x2e: {  	s3 =	simm.s32 @!p0 $0x1082;
	s9 =	sld [smem:$0x3FB7]  }
0x2f: {  	lr =	sadd.s32 s0, s3;
	s0 =	sld [smem:$0x3FAE]  }
0x30: {  	s3 =	sld [smem:$0x3FB1]  }
0x31: {  	[smem:$0x3FBA] =	sst s10  }
0x32: {  	s10 =	sld [smem:$0x3FB8];
	_ =	sdelay $0x3  }
0x33: {  	p0 =	seq.s32 s10, $0x1;
	s10 =	sld [smem:$0x3FBA];
	_ =	sdelay $0x3  }
0x34: {  	[smem:$0x3FBA] =	sst s10  }
0x35: {  	s10 =	sld [smem:$0x3FB9];
	_ =	sdelay $0x3  }
0x36: {  	p1 =	seq.s32 s10, $0x1;
	s10 =	sld [smem:$0x3FBA];
	_ =	sdelay $0x3  }
0x37: {  	[smem:$0x3FBA] =	sst s10  }
0x38: {  	s10 =	sld [smem:$0x3FBB]  }
0x39: {  	_ = 	snop;
	(pc) =	sbr.ind lr, $3  }
0x3a: {  	_ = 	snop  }
0x3b: {  	_ = 	snop  }
0x3c: {  	p2 =	seq.s32 s10, $0x1;
	s10 =	sld [smem:$0x3FBA]  }
0x3d: {  	_ =	shalt  }
0x3e: {  	_ =	shalt  }
0x3f: {  	_ =	shalt  }
0x40: {  	_ =	shalt  }
0x41: {  	_ =	shalt  }
0x42: {  	_ =	shalt  }
0x43: {  	_ =	shalt  }
0x44: {  	_ =	shalt  }
0x45: {  	_ =	shalt  }
0x46: {  	_ =	shalt  }
0x47: {  	_ =	shalt  }
0x48: {  	_ =	shalt  }
0x49: {  	_ =	shalt  }
0x4a: {  	_ =	shalt  }
0x4b: {  	_ =	shalt  }
0x4c: {  	_ =	shalt  }
0x4d: {  	_ =	shalt  }
0x4e: {  	_ =	shalt  }
0x4f: {  	_ =	shalt  }
0x50: {  	_ =	shalt  }
0x51: {  	_ =	shalt  }
0x52: {  	_ =	shalt  }
0x53: {  	_ =	shalt  }
0x54: {  	_ =	shalt  }
0x55: {  	_ =	shalt  }
0x56: {  	_ =	shalt  }
0x57: {  	_ =	shalt  }
0x58: {  	_ =	shalt  }
0x59: {  	_ =	shalt  }
0x5a: {  	_ =	shalt  }
0x5b: {  	_ =	shalt  }
0x5c: {  	_ =	shalt  }
0x5d: {  	_ =	shalt  }
0x5e: {  	_ =	shalt  }
0x5f: {  	_ =	shalt  }
0x60: {  	_ =	shalt  }
0x61: {  	_ =	shalt  }
0x62: {  	_ =	shalt  }
0x63: {  	_ =	shalt  }
0x64: {  	_ =	shalt  }
0x65: {  	_ =	shalt  }
0x66: {  	_ =	shalt  }
0x67: {  	_ =	shalt  }
0x68: {  	_ =	shalt  }
0x69: {  	_ =	shalt  }
0x6a: {  	_ =	shalt  }
0x6b: {  	_ =	shalt  }
0x6c: {  	_ =	shalt  }
0x6d: {  	_ =	shalt  }
0x6e: {  	_ =	shalt  }
0x6f: {  	_ =	shalt  }
0x70: {  	_ =	shalt  }
0x71: {  	_ =	shalt  }
0x72: {  	_ =	shalt  }
0x73: {  	_ =	shalt  }
0x74: {  	_ =	shalt  }
0x75: {  	_ =	shalt  }
0x76: {  	_ =	shalt  }
0x77: {  	_ =	shalt  }
0x78: {  	_ =	shalt  }
0x79: {  	_ =	shalt  }
0x7a: {  	_ =	shalt  }
0x7b: {  	_ =	shalt  }
0x7c: {  	_ =	shalt  }
0x7d: {  	_ =	shalt  }
0x7e: {  	_ =	shalt  }
0x7f: {  	_ =	shalt  }
0x80: {  	_ =	shalt  }
0x81: {  	_ =	shalt  }
0x82: {  	_ =	shalt  }
0x83: {  	_ =	shalt  }
0x84: {  	_ =	shalt  }
0x85: {  	_ =	shalt  }
0x86: {  	_ =	shalt  }
0x87: {  	_ =	shalt  }
.Lfunc_end0:
.L_simem_size_0:
called_computation_lowered:
.L_overlay_start_0:
0x88: {  	s2 =	sld [smem:$0x3FD9]  }
0x89: {  	s3 =	sld [smem:$0x3FFE];
	_ =	sdelay $0x1  }
0x8a: {  	s1 =	srdreg.scid  }
0x8b: {  	s0 =	sand.u32 $0x1, s1  }
0x8c: {  	s14 =	sshll.u32 s0, $0xA;
	s2 =	sadd.s32 s3, s2  }
0x8d: {  	s2 =	sadd.s32 s2, s14  }
0x8e: {  	[smem:$0x3FC6] =	sst s2  }
0x8f: {  	_ = 	snop  }
0x90: {  	s2 =	sld [smem:$0x3FD0];
	_ =	sdelay $0x2  }
0x91: {  	s15 =	simm.s32 $0xA;
	s4 =	simm.s32 $0x10  }
0x92: {  	[smem:s4], [sflag:s15] =	dma.local [hbm:s2], $0x1  }
0x93: {  	_ =	swait.eq [sflag:s15], $0x1  }
0x94: {  	[sflag:s15] =	ssyncset.done $0x0  }
0x95: {  	[sflag:s15] =	ssyncadd.s32 $0xFFFFFFFF  }
0x96: {  	s16 =	sld [smem:$0x10];
	(tm) =	ssettm $0x1  }
0x97: {  	s17 =	sld [smem:$0x3FFB];
	_ =	sdelay $0x3  }
0x98: {  	_ =	strace s17  }
0x99: {  	s3 =	sld [smem:$0x3FFC];
	_ =	sdelay $0x3  }
0x9a: {  	_ =	strace s3  }
0x9b: {  	s3 =	sld [smem:$0x3FFD];
	_ =	sdelay $0x3  }
0x9c: {  	_ =	strace s3  }
0x9d: {  	_ =	strace $0x8FFFFFFF  }
0x9e: {  	s18 =	sld [smem:$0x3FDB];
	_ =	sdelay $0x1  }
0x9f: {  	s19 =	simm.s32 $_scs_section_size  }
0xa0: {  	s5 =	simm.s32 $_size__tile_overlayer_lowered;
	s6 =	simm.s32 $_tile_overlayer_lowered  }
0xa1: {  	s22 =	simm.s32 $0x1BFF;
	s21 =	sshll.u32 s6, $0x1;
	s3 =	sadd.s32 s19, s18  }
0xa2: {  	s7 =	simm.s32 $0x0;
	s20 =	sshll.u32 s5, $0x1;
	s5 =	sadd.s32 s21, s3  }
0xa3: {  	[timem:s7], [sflag:s22] =	dma.local [hbm:s5], s20  }
0xa4: {  	_ =	swait.ge [sflag:s22], s20  }
0xa5: {  	s4 =	ssub.s32 $0x0, s20;
	[sflag:s22] =	ssyncset.done $0x0  }
0xa6: {  	[sflag:s22] =	ssyncadd.s32 s4;
	_ =	sdelay $0x1  }
0xa7: {  	s23 =	simm.s32 $0x1B8B  }
0xa8: {  	_ =	swait.ge [sflag:s23], $0x1  }
0xa9: {  	[sflag:s23] =	ssyncset.done $0x0  }
0xaa: {  	s25 =	simm.s32 $0x1B8E;
	s24 =	sld [smem:$0x3FFE];
	[sflag:s23] =	ssyncadd.s32 $0xFFFFFFFF  }
0xab: {  	s26 =	simm.s32 $execute0_lowered;
	[smem:$0x3FD2] =	sst s25  }
0xac: {  	s5 =	sshll.u32 s26, $0x1;
	_ =	strace $0x80000046;
	[dreg:$0x1] =	wrdreg $0xFFFFFFFF  }
0xad: {  	s28 =	simm.s32 $_size_execute0_lowered;
	s3 =	sadd.s32 s3, s5;
	[dreg:$0x0] =	wrdreg $0x0  }
0xae: {  	s5 =	sshll.u32 s28, $0x1;
	[dreg:$0x2] =	wrdreg s3  }
0xaf: {  	[dreg:$0x3] =	wrdreg s5  }
0xb0: {  	[dreg:$0x4] =	wrdreg $0xC0  }
0xb1: {  	_ =	task [dreg:s7], $0x5FFFF  }
0xb2: {  	[dreg:$0x1] =	wrdreg $0xFFFFFFFF  }
0xb3: {  	[dreg:$0x0] =	wrdreg $0x60  }
0xb4: {  	[dreg:$0x2] =	wrdreg s24  }
0xb5: {  	[dreg:$0x3] =	wrdreg s16  }
0xb6: {  	[dreg:$0x4] =	wrdreg $0x9  }
0xb7: {  	_ =	task.clear_ibuf [dreg:s7], $0x5FFFF;
	_ =	strace $0x90000046  }
0xb8: {  	s29 =	simm.s32 $0x9;
	_ =	strace $0x80000048  }
0xb9: {  	_ =	swait.ge [sflag:s29], $0x1  }
0xba: {  	[sflag:s29] =	ssyncadd.s32 $0xFFFFFFFF  }
0xbb: {  	_ =	strace $0x90000048  }
0xbc: {  	_ =	sfence  }
0xbd: {  	s30 =	sld [smem:$0x0];
	_ =	sdelay $0x2  }
0xbe: {  	s31 =	sshll.u32 s1, $0xD;
	s1 =	sshrl.u32 s1, $0x2  }
0xbf: {  	s3 =	sand.u32 $0x4000, s31;
	s1 =	sadd.s32 s1, s30  }
0xc0: {  	s0 =	sor.u32 s3, s0;
	s1 =	sshll.u32 s1, $0x11  }
0xc1: {  	s0 =	sor.u32 s1, s0  }
0xc2: {  	s0 =	sadd.s32 $0x8F2B, s0  }
0xc3: {  	[sflag:s0] =	ssyncadd.remote.s32 $0x1  }
0xc4: {  	_ =	sfence.sel $0xFFFF  }
0xc5: {  	[dreg:$0x0] =	wrdreg $0xFFFFFFFF;
	(pc) =	sbr.abs _section_cstart, $3  }
0xc6: {  	[dreg:$0x1] =	wrdreg $0xFFFFFFFF  }
0xc7: {  	_ =	task.clear_ibuf [dreg:s7], $0x2FFFF;
	_ =	strace $0x9FFFFFFF  }
0xc8: {  	(tm) =	ssettm $0x7FFFFFFF  }
0xc9: {  	_ =	shalt  }
tec
execute0_lowered:
.L_overlay_start_1:
0x0: {  	(tag) =	ssettag $0x1  }
0x1: {  	s4 =	rddreg [dreg:$0x0]  }
0x2: {  	s5 =	rddreg [dreg:$0x1]  }
0x3: {  	s0 =	rddreg [dreg:$0x2]  }
0x4: {  	s3 =	srdreg.scid;
	s1 =	stileid.u32  }
0x5: {  	s2 =	simm.s32 $0x0;
	s11 =	simm.s32 $0x400;
	s12 =	simm.s32 $0x0  }
0x6: {  	s3 =	sand.u32 $0x1, s3;
	s6 =	sshll.u32 s1, $0x1;
	[smem:$0x7FF] =	sst s2  }
0x7: {  	s7 =	sshrl.u32 s1, $0x2;
	s6 =	sor.u32 s3, s6;
	_ =	strace $0x80000047  }
0x8: {  	s7 =	smul.u32 $0x12000, s7;
	s9 =	ssub.s32 $0x2, s3;
	s3 =	sadd.s32 $0x400, s4  }
0x9: {  	s8 =	sshll.u32 s6, $0x7;
	s6 =	smul.u32 $0x120, s6;
	s10 =	sshrl.u32 s9, $0x1  }
0xa: {  	s8 =	sand.u32 $0x380, s8;
	s31 =	ssub.s32 s9, s10;
	s9 =	simm.s32 $0x1900  }
0xb: {  	v0 =	vlaneseq.u32;
	s10 =	simm.s32 $0x80;
	s7 =	sor.u32 s7, s8;
	s4 =	sadd.s32 s6, s4  }
0xc: {  	v1 =	vor.u32 $0x10, v0;
	v2 =	vor.u32 $0x20, v0;
	v3 =	vor.u32 $0x30, v0;
	s6 =	smax.u32 s31, $0x1;
	s8 =	simm.s32 $0x1000;
	s7 =	sshrl.u32 s7, $0x3  }
0xd: {  	v4 =	vor.u32 $0x50, v0;
	v5 =	vor.u32 $0x60, v0;
	v6 =	vor.u32 $0x70, v0;
	s4 =	sadd.s32 $0x600, s4;
	s5 =	sadd.s32 s5, s7;
	s7 =	simm.s32 $0x1  }
.LBB2_1:
0xe: {  	[tilespmem:s2], [sflag:$0x1] =	stream.linear.gather [hbm4b:s3+s2], $0x1000, $0x38;
	[tilespmem:$0x3D00] =	vst v63  }
0xf: {  	_ =	swait.ge [sflag:s7], $0x1000  }
0x10: {  	[sflag:s7] =	ssyncset.done $0x0  }
0x11: {  	[sflag:s7] =	ssyncadd.s32 $0xFFFFF000  }
0x12: {  	[tilespmem:s8], [sflag:$0x1] =	stream.linear.gather [hbm4b:s4+s2], $0x900, $0x38;
	[tilespmem:$0x3D00] =	vst v63  }
0x13: {  	_ =	swait.ge [sflag:s7], $0x900  }
0x14: {  	[sflag:s7] =	ssyncset.done $0x0  }
0x15: {  	s13 =	simm.s32 $0xFFFFFFFC;
	s14 =	simm.s32 $0x0;
	[sflag:s7] =	ssyncadd.s32 $0xFFFFF700  }
.LBB2_2:
0x16: {  	s15 =	sshra.s32 s14, $0x2  }
0x17: {  	v7 =	vld [tilespmem:s15+$0x1000];
	_ =	sdelay $0x4  }
0x18: {  	v7 =	vshll.u32 v7, $0x2;
	_ =	sdelay $0x4  }
0x19: {  	v9 =	vor.u32 s14, v0;
	v8 =	vld.idx.msk [tilespmem:v7+s2+$0x0], $0xffff  }
0x1a: {  	v10 =	vor.u32 $0x1, v7;
	_ =	sdelay $0x3  }
0x1b: {  	[tilespmem:v9+s9+$0x0] =	vst.idx.msk $0xffff, v8  }
0x1c: {  	v46 =	vor.u32 s14, v1;
	v8 =	vld.idx.msk [tilespmem:v10+s2+$0x0], $0xffff  }
0x1d: {  	v47 =	vor.u32 $0x2, v7;
	_ =	sdelay $0x3  }
0x1e: {  	[tilespmem:v46+s9+$0x0] =	vst.idx.msk $0xffff, v8  }
0x1f: {  	v48 =	vor.u32 s14, v2;
	v8 =	vld.idx.msk [tilespmem:v47+s2+$0x0], $0xffff  }
0x20: {  	v7 =	vor.u32 $0x3, v7;
	_ =	sdelay $0x3  }
0x21: {  	[tilespmem:v48+s9+$0x0] =	vst.idx.msk $0xffff, v8  }
0x22: {  	v8 =	vor.u32 s14, v3;
	v7 =	vld.idx.msk [tilespmem:v7+s2+$0x0], $0xffff;
	_ =	sdelay $0x4  }
0x23: {  	[tilespmem:v8+s9+$0x0] =	vst.idx.msk $0xffff, v7  }
0x24: {  	v7 =	vld [tilespmem:s15+$0x1010];
	_ =	sdelay $0x4  }
0x25: {  	v7 =	vshll.u32 v7, $0x2;
	_ =	sdelay $0x3  }
0x26: {  	s16 =	sadd.s32 $0x40, s14  }
0x27: {  	v49 =	vor.u32 s16, v0;
	v8 =	vld.idx.msk [tilespmem:v7+s2+$0x0], $0xffff  }
0x28: {  	v50 =	vor.u32 $0x1, v7;
	_ =	sdelay $0x3  }
0x29: {  	[tilespmem:v49+s9+$0x0] =	vst.idx.msk $0xffff, v8  }
0x2a: {  	v51 =	vor.u32 s16, v4;
	v8 =	vld.idx.msk [tilespmem:v50+s2+$0x0], $0xffff  }
0x2b: {  	v52 =	vor.u32 $0x2, v7;
	_ =	sdelay $0x3  }
0x2c: {  	[tilespmem:v51+s9+$0x0] =	vst.idx.msk $0xffff, v8  }
0x2d: {  	v53 =	vor.u32 s16, v5;
	v8 =	vld.idx.msk [tilespmem:v52+s2+$0x0], $0xffff  }
0x2e: {  	v7 =	vor.u32 $0x3, v7;
	_ =	sdelay $0x3  }
0x2f: {  	[tilespmem:v53+s9+$0x0] =	vst.idx.msk $0xffff, v8  }
0x30: {  	v8 =	vor.u32 s16, v6;
	v7 =	vld.idx.msk [tilespmem:v7+s2+$0x0], $0xffff;
	_ =	sdelay $0x4  }
0x31: {  	[tilespmem:v8+s9+$0x0] =	vst.idx.msk $0xffff, v7  }
0x32: {  	v7 =	vld [tilespmem:s15+$0x1020];
	_ =	sdelay $0x4  }
0x33: {  	v7 =	vshll.u32 v7, $0x2;
	_ =	sdelay $0x3  }
0x34: {  	s30 =	sadd.s32 $0x80, s14  }
0x35: {  	v54 =	vor.u32 s30, v0;
	v8 =	vld.idx.msk [tilespmem:v7+s2+$0x0], $0xffff  }
0x36: {  	v55 =	vor.u32 $0x1, v7;
	_ =	sdelay $0x3  }
0x37: {  	[tilespmem:v54+s9+$0x0] =	vst.idx.msk $0xffff, v8  }
0x38: {  	v56 =	vor.u32 s30, v1;
	v8 =	vld.idx.msk [tilespmem:v55+s2+$0x0], $0xffff  }
0x39: {  	v57 =	vor.u32 $0x2, v7;
	_ =	sdelay $0x3  }
0x3a: {  	[tilespmem:v56+s9+$0x0] =	vst.idx.msk $0xffff, v8  }
0x3b: {  	v58 =	vor.u32 s30, v2;
	v8 =	vld.idx.msk [tilespmem:v57+s2+$0x0], $0xffff  }
0x3c: {  	v7 =	vor.u32 $0x3, v7;
	_ =	sdelay $0x3  }
0x3d: {  	[tilespmem:v58+s9+$0x0] =	vst.idx.msk $0xffff, v8  }
0x3e: {  	v8 =	vor.u32 s30, v3;
	v7 =	vld.idx.msk [tilespmem:v7+s2+$0x0], $0xffff;
	_ =	sdelay $0x4  }
0x3f: {  	[tilespmem:v8+s9+$0x0] =	vst.idx.msk $0xffff, v7  }
0x40: {  	v7 =	vld [tilespmem:s15+$0x1030];
	_ =	sdelay $0x4  }
0x41: {  	v7 =	vshll.u32 v7, $0x2;
	_ =	sdelay $0x3  }
0x42: {  	s31 =	sadd.s32 $0xC0, s14  }
0x43: {  	v59 =	vor.u32 s31, v0;
	v8 =	vld.idx.msk [tilespmem:v7+s2+$0x0], $0xffff  }
0x44: {  	v60 =	vor.u32 $0x1, v7;
	_ =	sdelay $0x3  }
0x45: {  	[tilespmem:v59+s9+$0x0] =	vst.idx.msk $0xffff, v8  }
0x46: {  	v61 =	vor.u32 s31, v4;
	v8 =	vld.idx.msk [tilespmem:v60+s2+$0x0], $0xffff  }
0x47: {  	v62 =	vor.u32 $0x2, v7;
	_ =	sdelay $0x3  }
0x48: {  	[tilespmem:v61+s9+$0x0] =	vst.idx.msk $0xffff, v8  }
0x49: {  	v63 =	vor.u32 s31, v5;
	v8 =	vld.idx.msk [tilespmem:v62+s2+$0x0], $0xffff  }
0x4a: {  	v7 =	vor.u32 $0x3, v7;
	_ =	sdelay $0x3  }
0x4b: {  	s13 =	sadd.s32 $0x4, s13;
	[tilespmem:v63+s9+$0x0] =	vst.idx.msk $0xffff, v8  }
0x4c: {  	p0 =	slt.u32 s13, $0x8C;
	v8 =	vor.u32 s31, v6;
	v7 =	vld.idx.msk [tilespmem:v7+s2+$0x0], $0xffff  }
.Ltmp0:
0x4d: {  	_ = 	snop;
	(pc) =	sbr.rel @p0 .LBB2_2-.Ltmp0, $2  }
0x4e: {  	_ =	sdelay $0x2  }
0x4f: {  	s14 =	sadd.s32 $0x100, s14;
	[tilespmem:v8+s9+$0x0] =	vst.idx.msk $0xffff, v7  }
0x50: {  	s12 =	sadd.s32 $0x1, s12  }
0x51: {  	p0 =	sne.s32 s12, s6  }
.Ltmp1:
0x52: {  	_ = 	snop;
	(pc) =	sbr.rel @p0 .LBB2_1-.Ltmp1, $4  }
0x53: {  	[hbm4b:s5+s10] =	stream.strided.scatter [tilespmem:s9], [sflag:$0x1], $0x2400, s11, s10, $0x38;
	[tilespmem:$0x3D00] =	vst v63  }
0x54: {  	_ =	swait.ge [sflag:s7], $0x2400  }
0x55: {  	[sflag:s7] =	ssyncset.done $0x0  }
0x56: {  	[sflag:s7] =	ssyncadd.s32 $0xFFFFDC00  }
0x57: {  	_ =	sfence.sel $0x180000  }
0x58: {  	[bflag:$0x0] =	sbarrier.arrive $0xFFFF  }
0x59: {  	p0 =	sne.s32 s1, $0x0;
	_ =	strace $0x90000047  }
0x5a: {  	s0 =	sadd.s32 @!p0 $0x100000, s0;
	[bflag:$0x2] =	sbarrier.arrive $0xFFFF  }
0x5b: {  	[sflag:s0] =	ssyncadd.tile.s32 @!p0 $0x1;
	_ =	shalt  }
.Lfunc_end2:
_tile_overlayer_lowered:
.L_overlay_start_2:
0x5c: {  	(tag) =	ssettag $0x2  }
0x5d: {  	s0 =	rddreg [dreg:$0x0];
	s2 =	stileid.u32  }
0x5e: {  	s1 =	rddreg [dreg:$0x1];
	p0 =	sne.s32 s2, $0x0  }
0x5f: {  	s3 =	rddreg [dreg:$0x2];
	[bflag:$0x3] =	sbarrier.arrive $0xFFFF;
	s2 =	simm.s32 @!p0 $0x1C01  }
0x60: {  	[timem:s3], [sflag:s2] =	dma.local @!p0 [hbm:s0], s1  }
0x61: {  	s0 =	simm.s32 @!p0 $0x1  }
0x62: {  	_ =	swait.ge @!p0 [sflag:s0], s1  }
0x63: {  	s1 =	ssub.s32 @!p0 $0x0, s1;
	[sflag:s0] =	ssyncset.done @!p0 $0x0  }
0x64: {  	[sflag:s0] =	ssyncadd.s32 @!p0 s1  }
0x65: {  	[bflag:$0x3] =	sbarrier.arrive $0xFFFF  }
0x66: {  	_ =	shalt  }

</sc_bundles>
